<compile_context>
chip_gen: v7x
topology: tpu7x:2x2x1
jax: 0.10.2.dev20260603
libtpu: 0.0.44.dev20260713+nightly
codegen_flags: <defaults>
</compile_context>

<pallas_src>
import functools

import jax
import jax.numpy as jnp
from jax import lax
from jax.experimental import pallas as pl
from jax.experimental.pallas import tpu as pltpu
from jax.experimental.pallas import tpu_sc as plsc

NUM_TIME_STEPS = 1000
BATCH = 16384

_info = plsc.get_sparse_core_info()
_NC, _NS, _L = _info.num_cores, _info.num_subcores, _info.num_lanes
_NW = _NS
_B_PER_W = BATCH // _NW
_VECS = _B_PER_W // _L


@functools.partial(
    pl.kernel,
    mesh=plsc.VectorSubcoreMesh(core_axis_name="c", subcore_axis_name="s", num_cores=1),
    compiler_params=pltpu.CompilerParams(needs_layout_passes=False),
    out_type=(
        jax.ShapeDtypeStruct((BATCH,), jnp.float32),
        jax.ShapeDtypeStruct((BATCH,), jnp.float32),
    ),
    scratch_types=[
        pltpu.VMEM((NUM_TIME_STEPS,), jnp.float32),
        pltpu.VMEM((NUM_TIME_STEPS,), jnp.float32),
        pltpu.VMEM((_B_PER_W,), jnp.int32),
        pltpu.VMEM((_B_PER_W,), jnp.float32),
        pltpu.VMEM((_B_PER_W,), jnp.float32),
        pltpu.SemaphoreType.DMA,
        pltpu.SemaphoreType.DMA,
        pltpu.SemaphoreType.DMA,
    ],
)
def _ddpm_gather(alpha_hbm, beta_hbm, ts_hbm, a_out_hbm, b_out_hbm,
                 alpha_v, beta_v, idx_v, a_v, b_v, sem, sem_b, sem_out):
    wid = lax.axis_index("s")
    base = wid * _B_PER_W
    cp_a = pltpu.async_copy(alpha_hbm, alpha_v, sem)
    cp_i = pltpu.async_copy(ts_hbm.at[pl.ds(base, _B_PER_W)], idx_v, sem)
    cp_b = pltpu.async_copy(beta_hbm, beta_v, sem_b)
    cp_a.wait()
    cp_i.wait()

    @plsc.parallel_loop(0, _B_PER_W, _L, unroll=8)
    def a_body(i):
        sl = pl.ds(i, _L)
        a_v[sl] = plsc.load_gather(alpha_v, [idx_v[sl]])

    out_a = pltpu.async_copy(a_v, a_out_hbm.at[pl.ds(base, _B_PER_W)], sem_out)
    cp_b.wait()

    @plsc.parallel_loop(0, _B_PER_W, _L, unroll=8)
    def b_body(i):
        sl = pl.ds(i, _L)
        b_v[sl] = plsc.load_gather(beta_v, [idx_v[sl]])

    out_b = pltpu.async_copy(b_v, b_out_hbm.at[pl.ds(base, _B_PER_W)], sem_out)
    out_a.wait()
    out_b.wait()


def kernel(alpha, beta, timestep):
    return _ddpm_gather(alpha, beta, timestep)

# --- scband reference (transcript-rebuilt; emitter-appended) ---
"""Pipeline reference for scband-ddpm-scheduler-51642686767788 (READ-ONLY COPY).

The authoritative reference and input builder live on the scoring server;
editing this copy changes nothing except your own understanding.
"""

import jax, jax.numpy as jnp
import numpy as np

NUM_TIME_STEPS = 1000
BATCH = 16384


def setup_inputs(seed: int = 0) -> dict:
    key = jax.random.key(seed)
    # Faithful reproduction of the DDPM schedule buffers
    beta = jnp.linspace(0.0001, 0.02, NUM_TIME_STEPS).astype(jnp.float32)
    alpha = jnp.cumprod(1.0 - beta, axis=0).astype(jnp.float32)
    timestep = jax.random.randint(
        jax.random.fold_in(key, 1), (BATCH,), 0, NUM_TIME_STEPS, dtype=jnp.int32
    )
    return {"alpha": alpha, "beta": beta, "timestep": timestep}


def reference(alpha, beta, timestep):
    # forward: (self.alpha[timestep], self.beta[timestep]) -> two gathers
    a = jnp.take(alpha, timestep, axis=0)
    b = jnp.take(beta, timestep, axis=0)
    return (a, b)

if __name__ == "__main__":
    import jax
    _d = setup_inputs()
    print(jax.jit(kernel)(*tuple(_d.values())))

</pallas_src>

<mosaic_0001>
#map = affine_map<(d0, d1) -> (0)>
module attributes {stable_mosaic.version = 14 : i64} {
  func.func @_ddpm_gather(%arg0: i32, %arg1: i32, %arg2: memref<1000xf32, #tpu.memory_space<hbm>>, %arg3: memref<1000xf32, #tpu.memory_space<hbm>>, %arg4: memref<16384xi32, #tpu.memory_space<hbm>>, %arg5: memref<16384xf32, #tpu.memory_space<hbm>>, %arg6: memref<16384xf32, #tpu.memory_space<hbm>>, %arg7: memref<1000xf32, #tpu.memory_space<vmem>>, %arg8: memref<1000xf32, #tpu.memory_space<vmem>>, %arg9: memref<1024xi32, #tpu.memory_space<vmem>>, %arg10: memref<1024xf32, #tpu.memory_space<vmem>>, %arg11: memref<1024xf32, #tpu.memory_space<vmem>>, %arg12: memref<!tpu.dma_semaphore, #tpu.memory_space<semaphore_mem>>, %arg13: memref<!tpu.dma_semaphore, #tpu.memory_space<semaphore_mem>>, %arg14: memref<!tpu.dma_semaphore, #tpu.memory_space<semaphore_mem>>) attributes {dimension_semantics = [#tpu.dimension_semantics<core_parallel>, #tpu.dimension_semantics<subcore_parallel>], iteration_bounds = array<i64: 1, 16>, scalar_prefetch = 0 : i64, scratch_operands = 8 : i64, tpu.core_type = #tpu.core_type<sc_vector_subcore>, window_params = [{transform_indices = #map}, {transform_indices = #map}, {transform_indices = #map}, {transform_indices = #map}, {transform_indices = #map}]} {
    %mul3A = arith.constant 1024 : i32
    %mul3A_0 = arith.muli %arg1, %mul3A : i32
    tpu.enqueue_dma source(%arg2 : memref<1000xf32, #tpu.memory_space<hbm>>) target(%arg7 : memref<1000xf32, #tpu.memory_space<vmem>>) target_semaphore(%arg12 : memref<!tpu.dma_semaphore, #tpu.memory_space<semaphore_mem>>)
    %dma_start3A = tpu.memref_slice %arg4[%mul3A_0] : memref<16384xi32, #tpu.memory_space<hbm>> -> memref<1024xi32, #tpu.memory_space<hbm>>
    %dma_start3A_1 = tpu.memref_slice %arg4[%mul3A_0] : memref<16384xi32, #tpu.memory_space<hbm>> -> memref<1024xi32, #tpu.memory_space<hbm>>
    tpu.enqueue_dma source(%dma_start3A_1 : memref<1024xi32, #tpu.memory_space<hbm>>) target(%arg9 : memref<1024xi32, #tpu.memory_space<vmem>>) target_semaphore(%arg12 : memref<!tpu.dma_semaphore, #tpu.memory_space<semaphore_mem>>)
    tpu.enqueue_dma source(%arg3 : memref<1000xf32, #tpu.memory_space<hbm>>) target(%arg8 : memref<1000xf32, #tpu.memory_space<vmem>>) target_semaphore(%arg13 : memref<!tpu.dma_semaphore, #tpu.memory_space<semaphore_mem>>)
    tpu.wait_dma2 semaphore(%arg12 : memref<!tpu.dma_semaphore, #tpu.memory_space<semaphore_mem>>) src(%arg2 : memref<1000xf32, #tpu.memory_space<hbm>>) dst(%arg7 : memref<1000xf32, #tpu.memory_space<vmem>>)
    %dma_wait3A = tpu.memref_slice %arg4[%mul3A_0] : memref<16384xi32, #tpu.memory_space<hbm>> -> memref<1024xi32, #tpu.memory_space<hbm>>
    %dma_wait3A_2 = tpu.memref_slice %arg4[%mul3A_0] : memref<16384xi32, #tpu.memory_space<hbm>> -> memref<1024xi32, #tpu.memory_space<hbm>>
    tpu.wait_dma2 semaphore(%arg12 : memref<!tpu.dma_semaphore, #tpu.memory_space<semaphore_mem>>) src(%dma_wait3A_2 : memref<1024xi32, #tpu.memory_space<hbm>>) dst(%arg9 : memref<1024xi32, #tpu.memory_space<vmem>>)
    %parallel_loop3A = arith.constant 0 : i32
    %parallel_loop3A_3 = arith.constant 1024 : i32
    %parallel_loop3A_4 = arith.constant 16 : i32
    scf.for %parallel_loop3A_16 = %parallel_loop3A to %parallel_loop3A_3 step %parallel_loop3A_4  : i32 {
      %parallel_loop3A_17 = arith.index_cast %parallel_loop3A_16 : i32 to index
      %parallel_loop3A_18 = tpu.vector_load %arg9[%parallel_loop3A_17] {strides = array<i32>} : memref<1024xi32, #tpu.memory_space<vmem>>, vector<16xi32>,
      %parallel_loop3A_19 = tpu.vector_load_idx %arg7[%parallel_loop3A_18] : memref<1000xf32, #tpu.memory_space<vmem>>[vector<16xi32>], vector<16xf32>,
      %parallel_loop3A_20 = arith.index_cast %parallel_loop3A_16 : i32 to index
      %parallel_loop3A_21 = tpu.vector_load %arg10[%parallel_loop3A_20] {strides = array<i32>} : memref<1024xf32, #tpu.memory_space<vmem>>, vector<16xf32>,
      tpu.vector_store %arg10[%parallel_loop3A_20], %parallel_loop3A_19 {strides = array<i32>} : memref<1024xf32, #tpu.memory_space<vmem>>, vector<16xf32>,
    } {sc.loop_unroll_factor = 8 : i64, sc.parallel_access}
    %dma_start3A_5 = tpu.memref_slice %arg5[%mul3A_0] : memref<16384xf32, #tpu.memory_space<hbm>> -> memref<1024xf32, #tpu.memory_space<hbm>>
    %dma_start3A_6 = tpu.memref_slice %arg5[%mul3A_0] : memref<16384xf32, #tpu.memory_space<hbm>> -> memref<1024xf32, #tpu.memory_space<hbm>>
    tpu.enqueue_dma source(%arg10 : memref<1024xf32, #tpu.memory_space<vmem>>) target(%dma_start3A_6 : memref<1024xf32, #tpu.memory_space<hbm>>) target_semaphore(%arg14 : memref<!tpu.dma_semaphore, #tpu.memory_space<semaphore_mem>>)
    tpu.wait_dma2 semaphore(%arg13 : memref<!tpu.dma_semaphore, #tpu.memory_space<semaphore_mem>>) src(%arg3 : memref<1000xf32, #tpu.memory_space<hbm>>) dst(%arg8 : memref<1000xf32, #tpu.memory_space<vmem>>)
    %parallel_loop3A_7 = arith.constant 0 : i32
    %parallel_loop3A_8 = arith.constant 1024 : i32
    %parallel_loop3A_9 = arith.constant 16 : i32
    scf.for %parallel_loop3A_16 = %parallel_loop3A_7 to %parallel_loop3A_8 step %parallel_loop3A_9  : i32 {
      %parallel_loop3A_17 = arith.index_cast %parallel_loop3A_16 : i32 to index
      %parallel_loop3A_18 = tpu.vector_load %arg9[%parallel_loop3A_17] {strides = array<i32>} : memref<1024xi32, #tpu.memory_space<vmem>>, vector<16xi32>,
      %parallel_loop3A_19 = tpu.vector_load_idx %arg8[%parallel_loop3A_18] : memref<1000xf32, #tpu.memory_space<vmem>>[vector<16xi32>], vector<16xf32>,
      %parallel_loop3A_20 = arith.index_cast %parallel_loop3A_16 : i32 to index
      %parallel_loop3A_21 = tpu.vector_load %arg11[%parallel_loop3A_20] {strides = array<i32>} : memref<1024xf32, #tpu.memory_space<vmem>>, vector<16xf32>,
      tpu.vector_store %arg11[%parallel_loop3A_20], %parallel_loop3A_19 {strides = array<i32>} : memref<1024xf32, #tpu.memory_space<vmem>>, vector<16xf32>,
    } {sc.loop_unroll_factor = 8 : i64, sc.parallel_access}
    %dma_start3A_10 = tpu.memref_slice %arg6[%mul3A_0] : memref<16384xf32, #tpu.memory_space<hbm>> -> memref<1024xf32, #tpu.memory_space<hbm>>
    %dma_start3A_11 = tpu.memref_slice %arg6[%mul3A_0] : memref<16384xf32, #tpu.memory_space<hbm>> -> memref<1024xf32, #tpu.memory_space<hbm>>
    tpu.enqueue_dma source(%arg11 : memref<1024xf32, #tpu.memory_space<vmem>>) target(%dma_start3A_11 : memref<1024xf32, #tpu.memory_space<hbm>>) target_semaphore(%arg14 : memref<!tpu.dma_semaphore, #tpu.memory_space<semaphore_mem>>)
    %dma_wait3A_12 = tpu.memref_slice %arg5[%mul3A_0] : memref<16384xf32, #tpu.memory_space<hbm>> -> memref<1024xf32, #tpu.memory_space<hbm>>
    %dma_wait3A_13 = tpu.memref_slice %arg5[%mul3A_0] : memref<16384xf32, #tpu.memory_space<hbm>> -> memref<1024xf32, #tpu.memory_space<hbm>>
    tpu.wait_dma2 semaphore(%arg14 : memref<!tpu.dma_semaphore, #tpu.memory_space<semaphore_mem>>) src(%arg10 : memref<1024xf32, #tpu.memory_space<vmem>>) dst(%dma_wait3A_13 : memref<1024xf32, #tpu.memory_space<hbm>>)
    %dma_wait3A_14 = tpu.memref_slice %arg6[%mul3A_0] : memref<16384xf32, #tpu.memory_space<hbm>> -> memref<1024xf32, #tpu.memory_space<hbm>>
    %dma_wait3A_15 = tpu.memref_slice %arg6[%mul3A_0] : memref<16384xf32, #tpu.memory_space<hbm>> -> memref<1024xf32, #tpu.memory_space<hbm>>
    tpu.wait_dma2 semaphore(%arg14 : memref<!tpu.dma_semaphore, #tpu.memory_space<semaphore_mem>>) src(%arg11 : memref<1024xf32, #tpu.memory_space<vmem>>) dst(%dma_wait3A_15 : memref<1024xf32, #tpu.memory_space<hbm>>)
    return
  }
}

</mosaic_0001>

<sc_bundles>
// kernel: kernel.3.cloned.1.call-start
scs
__scs_entry_jumppad:
0x0: {  	(pc) =	sbr.rel $0x88, $3  }
0x1: {  	(tag) =	ssettag $0x0;
	lr =	simm.s32 $0x1  }
0x2: {  	[smem:$0x3F9E] =	sst lr;
	_ =	strace $0xD0000000  }
0x3: {  	_ = 	snop  }
0x4: {  	_ = 	snop  }
0x5: {  	_ = 	snop  }
0x6: {  	_ = 	snop  }
0x7: {  	_ = 	snop  }
__scs_overlays_trampoline_lowered:
0x8: {  	[smem:$0x3FAD] =	sst s0  }
0x9: {  	[smem:$0x3FAE] =	sst s1  }
0xa: {  	[smem:$0x3FAF] =	sst s2  }
0xb: {  	[smem:$0x3FB0] =	sst s3  }
0xc: {  	[smem:$0x3FB1] =	sst s4  }
0xd: {  	[smem:$0x3FB2] =	sst s5  }
0xe: {  	[smem:$0x3FB3] =	sst s6  }
0xf: {  	[smem:$0x3FB4] =	sst s7  }
0x10: {  	[smem:$0x3FB5] =	sst s8  }
0x11: {  	[smem:$0x3FB6] =	sst s9;
	s0 =	simm.s32 @!p0 $0x0  }
0x12: {  	s1 =	sld [smem:$0x3F9C];
	s0 =	simm.s32 @p0 $0x1  }
0x13: {  	[smem:$0x3FB7] =	sst s0;
	s0 =	simm.s32 @!p1 $0x0  }
0x14: {  	s2 =	sld [smem:$0x3F9B];
	s0 =	simm.s32 @p1 $0x1  }
0x15: {  	[smem:$0x3FB8] =	sst s0;
	s0 =	simm.s32 @!p2 $0x0  }
0x16: {  	s3 =	sld [smem:$0x3FDB];
	s0 =	simm.s32 @p2 $0x1  }
0x17: {  	s4 =	simm.s32 $0x1BF5;
	[smem:$0x3FBA] =	sst s0  }
0x18: {  	s0 =	sld [smem:$0x3F9D];
	_ =	swait.ge [sflag:s4], $0x0  }
0x19: {  	s7 =	sld [smem:$0x3F9E]  }
0x1a: {  	s8 =	sadd.s32 $0xFFFFE003, lr  }
0x1b: {  	s9 =	sadd.s32 $0xFFFFFEF7, lr;
	s5 =	simm.s32 $0xFFFFFFFF;
	p2 =	slt.u32 s8, $0xFFFFF086  }
0x1c: {  	p1 =	slt.u32 s9, $0xF7A;
	s5 =	simm.s32 @!p2 $0x0  }
0x1d: {  	s5 =	simm.s32 @p1 $0x1;
	p0 =	seq.s32 s7, s2  }
0x1e: {  	s7 =	smul.u32 @!p0 $0xF7A, s2;
	p2 =	seq.s32 @!p0 s5, $0x0  }
0x1f: {  	s9 =	smul.u32 $0xF7A, s1;
	s8 =	simm.s32 @!p0 $0x1BF5;
	p2 =	por !p2, p0  }
0x20: {  	[sflag:s8] =	ssyncset.s32 @!p0 $0xFFFFF086;
	s6 =	sadd.s32 @!p0 s3, s7;
	s7 =	simm.s32 @!p0 $0x108  }
0x21: {  	s3 =	sadd.s32 s3, s9;
	s6 =	sadd.s32 @!p0 $0x88, s6;
	s7 =	simm.s32 @p2 $0x1082  }
0x22: {  	[simem:s7], [sflag:s8] =	dma.local @!p0 [hbm:s6], $0xF7A  }
0x23: {  	s9 =	sor.u32 $0xD0000000, s2;
	s6 =	simm.s32 $0x108;
	_ =	swait.ge @!p0 [sflag:s8], $0x0  }
0x24: {  	s3 =	sadd.s32 $0x88, s3;
	s6 =	simm.s32 @!p1 $0x1082;
	[sflag:s4] =	ssyncset.s32 $0xFFFFF086  }
0x25: {  	[simem:s6], [sflag:s4] =	dma.local [hbm:s3], $0xF7A  }
0x26: {  	[smem:$0x3F9E] =	sst s1;
	(tag) =	ssettag s2;
	_ =	strace s9  }
0x27: {  	s1 =	sld [smem:$0x3FAE]  }
0x28: {  	s2 =	sld [smem:$0x3FAF]  }
0x29: {  	s4 =	sld [smem:$0x3FB1]  }
0x2a: {  	p0 =	seq.s32 s5, $0x0;
	s5 =	sld [smem:$0x3FB2]  }
0x2b: {  	s6 =	sld [smem:$0x3FB3]  }
0x2c: {  	s7 =	sld [smem:$0x3FB4]  }
0x2d: {  	s3 =	simm.s32 $0x108;
	s8 =	sld [smem:$0x3FB5]  }
0x2e: {  	s3 =	simm.s32 @!p0 $0x1082;
	s9 =	sld [smem:$0x3FB6]  }
0x2f: {  	lr =	sadd.s32 s0, s3;
	s0 =	sld [smem:$0x3FAD]  }
0x30: {  	s3 =	sld [smem:$0x3FB0]  }
0x31: {  	[smem:$0x3FB9] =	sst s10  }
0x32: {  	s10 =	sld [smem:$0x3FB7];
	_ =	sdelay $0x3  }
0x33: {  	p0 =	seq.s32 s10, $0x1;
	s10 =	sld [smem:$0x3FB9];
	_ =	sdelay $0x3  }
0x34: {  	[smem:$0x3FB9] =	sst s10  }
0x35: {  	s10 =	sld [smem:$0x3FB8];
	_ =	sdelay $0x3  }
0x36: {  	p1 =	seq.s32 s10, $0x1;
	s10 =	sld [smem:$0x3FB9];
	_ =	sdelay $0x3  }
0x37: {  	[smem:$0x3FB9] =	sst s10  }
0x38: {  	s10 =	sld [smem:$0x3FBA]  }
0x39: {  	_ = 	snop;
	(pc) =	sbr.ind lr, $3  }
0x3a: {  	_ = 	snop  }
0x3b: {  	_ = 	snop  }
0x3c: {  	p2 =	seq.s32 s10, $0x1;
	s10 =	sld [smem:$0x3FB9]  }
0x3d: {  	_ =	shalt  }
0x3e: {  	_ =	shalt  }
0x3f: {  	_ =	shalt  }
0x40: {  	_ =	shalt  }
0x41: {  	_ =	shalt  }
0x42: {  	_ =	shalt  }
0x43: {  	_ =	shalt  }
0x44: {  	_ =	shalt  }
0x45: {  	_ =	shalt  }
0x46: {  	_ =	shalt  }
0x47: {  	_ =	shalt  }
0x48: {  	_ =	shalt  }
0x49: {  	_ =	shalt  }
0x4a: {  	_ =	shalt  }
0x4b: {  	_ =	shalt  }
0x4c: {  	_ =	shalt  }
0x4d: {  	_ =	shalt  }
0x4e: {  	_ =	shalt  }
0x4f: {  	_ =	shalt  }
0x50: {  	_ =	shalt  }
0x51: {  	_ =	shalt  }
0x52: {  	_ =	shalt  }
0x53: {  	_ =	shalt  }
0x54: {  	_ =	shalt  }
0x55: {  	_ =	shalt  }
0x56: {  	_ =	shalt  }
0x57: {  	_ =	shalt  }
0x58: {  	_ =	shalt  }
0x59: {  	_ =	shalt  }
0x5a: {  	_ =	shalt  }
0x5b: {  	_ =	shalt  }
0x5c: {  	_ =	shalt  }
0x5d: {  	_ =	shalt  }
0x5e: {  	_ =	shalt  }
0x5f: {  	_ =	shalt  }
0x60: {  	_ =	shalt  }
0x61: {  	_ =	shalt  }
0x62: {  	_ =	shalt  }
0x63: {  	_ =	shalt  }
0x64: {  	_ =	shalt  }
0x65: {  	_ =	shalt  }
0x66: {  	_ =	shalt  }
0x67: {  	_ =	shalt  }
0x68: {  	_ =	shalt  }
0x69: {  	_ =	shalt  }
0x6a: {  	_ =	shalt  }
0x6b: {  	_ =	shalt  }
0x6c: {  	_ =	shalt  }
0x6d: {  	_ =	shalt  }
0x6e: {  	_ =	shalt  }
0x6f: {  	_ =	shalt  }
0x70: {  	_ =	shalt  }
0x71: {  	_ =	shalt  }
0x72: {  	_ =	shalt  }
0x73: {  	_ =	shalt  }
0x74: {  	_ =	shalt  }
0x75: {  	_ =	shalt  }
0x76: {  	_ =	shalt  }
0x77: {  	_ =	shalt  }
0x78: {  	_ =	shalt  }
0x79: {  	_ =	shalt  }
0x7a: {  	_ =	shalt  }
0x7b: {  	_ =	shalt  }
0x7c: {  	_ =	shalt  }
0x7d: {  	_ =	shalt  }
0x7e: {  	_ =	shalt  }
0x7f: {  	_ =	shalt  }
0x80: {  	_ =	shalt  }
0x81: {  	_ =	shalt  }
0x82: {  	_ =	shalt  }
0x83: {  	_ =	shalt  }
0x84: {  	_ =	shalt  }
0x85: {  	_ =	shalt  }
0x86: {  	_ =	shalt  }
0x87: {  	_ =	shalt  }
.Lfunc_end0:
.L_simem_size_0:
called_computation_lowered:
.L_overlay_start_0:
0x88: {  	s0 =	sld [smem:$0x3FD9]  }
0x89: {  	s1 =	sld [smem:$0x3FFE];
	_ =	sdelay $0x3  }
0x8a: {  	s0 =	sadd.s32 s1, s0  }
0x8b: {  	[smem:$0x3FC5] =	sst s0  }
0x8c: {  	_ = 	snop  }
0x8d: {  	s0 =	sld [smem:$0x3FD0]  }
0x8e: {  	s14 =	sld [smem:$0x3FC9]  }
0x8f: {  	s2 =	sld [smem:$0x3FC8]  }
0x90: {  	s4 =	simm.s32 $0xA;
	s5 =	simm.s32 $0x10;
	s3 =	sld [smem:$0x3FC7]  }
0x91: {  	[smem:s5], [sflag:s4] =	dma.local [hbm:s0], $0x1  }
0x92: {  	_ =	swait.eq [sflag:s4], $0x1  }
0x93: {  	[sflag:s4] =	ssyncset.done $0x0  }
0x94: {  	s15 =	sld [smem:$0x10];
	[sflag:s4] =	ssyncadd.s32 $0xFFFFFFFF  }
0x95: {  	s16 =	sld [smem:$0x11];
	(tm) =	ssettm $0x1  }
0x96: {  	s17 =	sld [smem:$0x3FFB];
	_ =	sdelay $0x3  }
0x97: {  	_ =	strace s17  }
0x98: {  	s5 =	sld [smem:$0x3FFC];
	_ =	sdelay $0x3  }
0x99: {  	_ =	strace s5  }
0x9a: {  	s5 =	sld [smem:$0x3FFD];
	_ =	sdelay $0x3  }
0x9b: {  	_ =	strace s5  }
0x9c: {  	_ =	strace $0x8FFFFFFF  }
0x9d: {  	s18 =	sld [smem:$0x3FDB];
	_ =	sdelay $0x1  }
0x9e: {  	s6 =	simm.s32 $_scs_section_size  }
0x9f: {  	s7 =	simm.s32 $_size__tile_overlayer_lowered;
	s8 =	simm.s32 $_tile_overlayer_lowered  }
0xa0: {  	s21 =	simm.s32 $0x1BFF;
	s20 =	sshll.u32 s8, $0x1;
	s5 =	sadd.s32 s6, s18  }
0xa1: {  	s9 =	simm.s32 $0x0;
	s19 =	sshll.u32 s7, $0x1;
	s7 =	sadd.s32 s20, s5  }
0xa2: {  	[timem:s9], [sflag:s21] =	dma.local [hbm:s7], s19  }
0xa3: {  	_ =	swait.ge [sflag:s21], s19  }
0xa4: {  	s6 =	ssub.s32 $0x0, s19;
	[sflag:s21] =	ssyncset.done $0x0  }
0xa5: {  	[sflag:s21] =	ssyncadd.s32 s6;
	_ =	sdelay $0x1  }
0xa6: {  	s22 =	simm.s32 $0x1B8B  }
0xa7: {  	_ =	swait.ge [sflag:s22], $0x1  }
0xa8: {  	[sflag:s22] =	ssyncset.done $0x0  }
0xa9: {  	s23 =	simm.s32 $0x1B8E;
	[sflag:s22] =	ssyncadd.s32 $0xFFFFFFFF  }
0xaa: {  	s24 =	simm.s32 $execute0_lowered;
	[smem:$0x3FD2] =	sst s23  }
0xab: {  	s6 =	sshll.u32 s24, $0x1;
	_ =	strace $0x80000046;
	[dreg:$0x1] =	wrdreg $0xFFFFFFFF  }
0xac: {  	s25 =	simm.s32 $_size_execute0_lowered;
	s5 =	sadd.s32 s5, s6;
	[dreg:$0x0] =	wrdreg $0x0  }
0xad: {  	s6 =	sshll.u32 s25, $0x1;
	[dreg:$0x2] =	wrdreg s5  }
0xae: {  	[dreg:$0x3] =	wrdreg s6  }
0xaf: {  	[dreg:$0x4] =	wrdreg $0xC0  }
0xb0: {  	_ =	task [dreg:s9], $0x5FFFF  }
0xb1: {  	[dreg:$0x1] =	wrdreg $0xFFFFFFFF  }
0xb2: {  	[dreg:$0x0] =	wrdreg $0x60  }
0xb3: {  	[dreg:$0x2] =	wrdreg s14  }
0xb4: {  	[dreg:$0x3] =	wrdreg s2  }
0xb5: {  	[dreg:$0x4] =	wrdreg s3  }
0xb6: {  	[dreg:$0x5] =	wrdreg s15  }
0xb7: {  	[dreg:$0x6] =	wrdreg s16  }
0xb8: {  	[dreg:$0x7] =	wrdreg $0x9  }
0xb9: {  	_ =	task.clear_ibuf [dreg:s9], $0x8FFFF;
	_ =	strace $0x90000046  }
0xba: {  	s26 =	simm.s32 $0x9;
	_ =	strace $0x80000048  }
0xbb: {  	_ =	swait.ge [sflag:s26], $0x1  }
0xbc: {  	[sflag:s26] =	ssyncadd.s32 $0xFFFFFFFF  }
0xbd: {  	_ =	strace $0x90000048  }
0xbe: {  	_ =	sfence  }
0xbf: {  	s28 =	sld [smem:$0x0];
	_ =	sdelay $0x1  }
0xc0: {  	s29 =	srdreg.scid  }
0xc1: {  	s30 =	sshll.u32 s29, $0xD;
	s31 =	sshrl.u32 s29, $0x2  }
0xc2: {  	s1 =	sand.u32 $0x1, s29;
	s2 =	sand.u32 $0x4000, s30;
	s0 =	sadd.s32 s31, s28  }
0xc3: {  	s1 =	sor.u32 s2, s1;
	s0 =	sshll.u32 s0, $0x11  }
0xc4: {  	s0 =	sor.u32 s0, s1  }
0xc5: {  	s0 =	sadd.s32 $0x8F2B, s0  }
0xc6: {  	[sflag:s0] =	ssyncadd.remote.s32 $0x1  }
0xc7: {  	_ =	sfence.sel $0xFFFF  }
0xc8: {  	[dreg:$0x0] =	wrdreg $0xFFFFFFFF;
	(pc) =	sbr.abs _section_cstart, $3  }
0xc9: {  	[dreg:$0x1] =	wrdreg $0xFFFFFFFF  }
0xca: {  	_ =	task.clear_ibuf [dreg:s9], $0x2FFFF;
	_ =	strace $0x9FFFFFFF  }
0xcb: {  	(tm) =	ssettm $0x7FFFFFFF  }
tec
execute0_lowered:
.L_overlay_start_1:
0x0: {  	(tag) =	ssettag $0x1  }
0x1: {  	s6 =	rddreg [dreg:$0x0]  }
0x2: {  	s7 =	rddreg [dreg:$0x1]  }
0x3: {  	s8 =	rddreg [dreg:$0x2]  }
0x4: {  	s4 =	rddreg [dreg:$0x3]  }
0x5: {  	s2 =	rddreg [dreg:$0x4];
	s5 =	simm.s32 $0x0  }
0x6: {  	s1 =	stileid.u32;
	[smem:$0x7FF] =	sst s5  }
0x7: {  	s0 =	rddreg [dreg:$0x5];
	s3 =	sshll.u32 s1, $0x7;
	_ =	strace $0x80000047  }
0x8: {  	[tilespmem:s5], [sflag:$0x1] =	stream.linear.gather [hbm4b:s6+s5], $0x400, $0x38;
	[tilespmem:$0x1400] =	vst v63  }
0x9: {  	s28 =	simm.s32 $0x800;
	s26 =	sadd.s32 s8, s3  }
0xa: {  	[tilespmem:s28], [sflag:$0x1] =	stream.linear.gather [hbm4b:s26+s5], $0x400, $0x38;
	[tilespmem:$0x1400] =	vst v63  }
0xb: {  	s29 =	simm.s32 $0x400;
	s30 =	simm.s32 $0x1  }
0xc: {  	[tilespmem:s29], [sflag:$0x2] =	stream.linear.gather [hbm4b:s7+s5], $0x400, $0x38;
	[tilespmem:$0x1400] =	vst v63  }
0xd: {  	_ =	swait.ge [sflag:s30], $0x400  }
0xe: {  	[sflag:s30] =	ssyncset.done $0x0  }
0xf: {  	[sflag:s30] =	ssyncadd.s32 $0xFFFFFC00  }
0x10: {  	_ =	swait.ge [sflag:s30], $0x400  }
0x11: {  	[sflag:s30] =	ssyncset.done $0x0  }
0x12: {  	s31 =	simm.s32 $0x840;
	[sflag:s30] =	ssyncadd.s32 $0xFFFFFC00  }
0x13: {  	v0 =	vld [tilespmem:s31+$0x30]  }
0x14: {  	v1 =	vld [tilespmem:s31+$0xFFFFFFD0]  }
0x15: {  	v2 =	vld [tilespmem:s31+$0xFFFFFFE0]  }
0x16: {  	v3 =	vld [tilespmem:s31+$0xFFFFFFF0]  }
0x17: {  	v4 =	vld [tilespmem:s31+$0x0]  }
0x18: {  	v6 =	vld [tilespmem:s31+$0x10]  }
0x19: {  	v7 =	vld [tilespmem:s31+$0x20]  }
0x1a: {  	v8 =	vld [tilespmem:s31+$0xFFFFFFC0]  }
0x1b: {  	v9 =	vld.idx.msk [tilespmem:v0+s5+$0x0], $0xffff  }
0x1c: {  	v10 =	vld.idx.msk [tilespmem:v1+s5+$0x0], $0xffff  }
0x1d: {  	v5 =	vld.idx.msk [tilespmem:v2+s5+$0x0], $0xffff  }
0x1e: {  	v3 =	vld.idx.msk [tilespmem:v3+s5+$0x0], $0xffff  }
0x1f: {  	v0 =	vld.idx.msk [tilespmem:v4+s5+$0x0], $0xffff  }
0x20: {  	s6 =	simm.s32 $0xC40;
	v1 =	vld.idx.msk [tilespmem:v6+s5+$0x0], $0xffff  }
0x21: {  	v2 =	vld.idx.msk [tilespmem:v7+s5+$0x0], $0xffff;
	[tilespmem:s6+$0x30] =	vst v9  }
0x22: {  	s8 =	simm.s32 $0x8C0;
	s7 =	simm.s32 $0x0;
	v4 =	vld.idx.msk [tilespmem:v8+s5+$0x0], $0xffff;
	[tilespmem:s6+$0xFFFFFFD0] =	vst v10  }
.LBB2_1:
0x23: {  	v6 =	vld [tilespmem:s8+$0x30];
	s7 =	sadd.s32 $0x80, s7;
	[tilespmem:s6+$0xFFFFFFE0] =	vst v5  }
0x24: {  	v5 =	vld [tilespmem:s8+$0xFFFFFFD0];
	p0 =	slt.u32 s7, $0x380;
	[tilespmem:s6+$0xFFFFFFF0] =	vst v3  }
0x25: {  	v3 =	vld [tilespmem:s8+$0xFFFFFFE0];
	[tilespmem:s6+$0x0] =	vst v0  }
0x26: {  	v0 =	vld [tilespmem:s8+$0xFFFFFFF0];
	[tilespmem:s6+$0x10] =	vst v1  }
0x27: {  	v1 =	vld [tilespmem:s8+$0x0];
	[tilespmem:s6+$0x20] =	vst v2  }
0x28: {  	v2 =	vld [tilespmem:s8+$0x10];
	[tilespmem:s6+$0xFFFFFFC0] =	vst v4  }
0x29: {  	v4 =	vld [tilespmem:s8+$0x20]  }
0x2a: {  	v7 =	vld [tilespmem:s8+$0xFFFFFFC0]  }
0x2b: {  	v6 =	vld.idx.msk [tilespmem:v6+s5+$0x0], $0xffff  }
0x2c: {  	v8 =	vld.idx.msk [tilespmem:v5+s5+$0x0], $0xffff  }
0x2d: {  	v5 =	vld.idx.msk [tilespmem:v3+s5+$0x0], $0xffff  }
.Ltmp0:
0x2e: {  	v3 =	vld.idx.msk [tilespmem:v0+s5+$0x0], $0xffff;
	(pc) =	sbr.rel @p0 .LBB2_1-.Ltmp0, $4  }
0x2f: {  	v0 =	vld.idx.msk [tilespmem:v1+s5+$0x0], $0xffff  }
0x30: {  	s6 =	sadd.s32 $0x80, s6;
	v1 =	vld.idx.msk [tilespmem:v2+s5+$0x0], $0xffff  }
0x31: {  	v2 =	vld.idx.msk [tilespmem:v4+s5+$0x0], $0xffff;
	[tilespmem:s6+$0x30] =	vst v6  }
0x32: {  	s8 =	sadd.s32 $0x80, s8;
	v4 =	vld.idx.msk [tilespmem:v7+s5+$0x0], $0xffff;
	[tilespmem:s6+$0xFFFFFFD0] =	vst v8  }
0x33: {  	[tilespmem:s6+$0xFFFFFFE0] =	vst v5  }
0x34: {  	[tilespmem:s6+$0xFFFFFFF0] =	vst v3  }
0x35: {  	[tilespmem:s6+$0x0] =	vst v0  }
0x36: {  	[tilespmem:s6+$0x10] =	vst v1  }
0x37: {  	s4 =	sadd.s32 s4, s3;
	[tilespmem:s6+$0x20] =	vst v2  }
0x38: {  	s5 =	simm.s32 $0x0;
	s29 =	simm.s32 $0xC00;
	s30 =	simm.s32 $0x2;
	[tilespmem:s6+$0xFFFFFFC0] =	vst v4  }
0x39: {  	[hbm4b:s4+s5] =	stream.linear.scatter [tilespmem:s29], [sflag:$0x3], $0x400, $0x38;
	[tilespmem:$0x1400] =	vst v63  }
0x3a: {  	_ =	swait.ge [sflag:s30], $0x400  }
0x3b: {  	[sflag:s30] =	ssyncset.done $0x0  }
0x3c: {  	s31 =	simm.s32 $0x840;
	[sflag:s30] =	ssyncadd.s32 $0xFFFFFC00  }
0x3d: {  	v0 =	vld [tilespmem:s31+$0x30]  }
0x3e: {  	v1 =	vld [tilespmem:s31+$0xFFFFFFD0]  }
0x3f: {  	v2 =	vld [tilespmem:s31+$0xFFFFFFE0]  }
0x40: {  	v3 =	vld [tilespmem:s31+$0xFFFFFFF0]  }
0x41: {  	v4 =	vld [tilespmem:s31+$0x0]  }
0x42: {  	v6 =	vld [tilespmem:s31+$0x10]  }
0x43: {  	v7 =	vld [tilespmem:s31+$0x20]  }
0x44: {  	s4 =	simm.s32 $0x400;
	v8 =	vld [tilespmem:s31+$0xFFFFFFC0]  }
0x45: {  	v9 =	vld.idx.msk [tilespmem:v0+s4+$0x0], $0xffff  }
0x46: {  	v10 =	vld.idx.msk [tilespmem:v1+s4+$0x0], $0xffff  }
0x47: {  	v5 =	vld.idx.msk [tilespmem:v2+s4+$0x0], $0xffff  }
0x48: {  	v3 =	vld.idx.msk [tilespmem:v3+s4+$0x0], $0xffff  }
0x49: {  	v0 =	vld.idx.msk [tilespmem:v4+s4+$0x0], $0xffff  }
0x4a: {  	s5 =	simm.s32 $0x1040;
	v1 =	vld.idx.msk [tilespmem:v6+s4+$0x0], $0xffff  }
0x4b: {  	v2 =	vld.idx.msk [tilespmem:v7+s4+$0x0], $0xffff;
	[tilespmem:s5+$0x30] =	vst v9  }
0x4c: {  	s7 =	simm.s32 $0x8C0;
	s6 =	simm.s32 $0x0;
	v4 =	vld.idx.msk [tilespmem:v8+s4+$0x0], $0xffff;
	[tilespmem:s5+$0xFFFFFFD0] =	vst v10  }
.LBB2_3:
0x4d: {  	v6 =	vld [tilespmem:s7+$0x30];
	s6 =	sadd.s32 $0x80, s6;
	[tilespmem:s5+$0xFFFFFFE0] =	vst v5  }
0x4e: {  	v5 =	vld [tilespmem:s7+$0xFFFFFFD0];
	p0 =	slt.u32 s6, $0x380;
	[tilespmem:s5+$0xFFFFFFF0] =	vst v3  }
0x4f: {  	v3 =	vld [tilespmem:s7+$0xFFFFFFE0];
	[tilespmem:s5+$0x0] =	vst v0  }
0x50: {  	v0 =	vld [tilespmem:s7+$0xFFFFFFF0];
	[tilespmem:s5+$0x10] =	vst v1  }
0x51: {  	v1 =	vld [tilespmem:s7+$0x0];
	[tilespmem:s5+$0x20] =	vst v2  }
0x52: {  	v2 =	vld [tilespmem:s7+$0x10];
	[tilespmem:s5+$0xFFFFFFC0] =	vst v4  }
0x53: {  	v4 =	vld [tilespmem:s7+$0x20]  }
0x54: {  	v7 =	vld [tilespmem:s7+$0xFFFFFFC0]  }
0x55: {  	v6 =	vld.idx.msk [tilespmem:v6+s4+$0x0], $0xffff  }
0x56: {  	v8 =	vld.idx.msk [tilespmem:v5+s4+$0x0], $0xffff  }
0x57: {  	v5 =	vld.idx.msk [tilespmem:v3+s4+$0x0], $0xffff  }
.Ltmp1:
0x58: {  	v3 =	vld.idx.msk [tilespmem:v0+s4+$0x0], $0xffff;
	(pc) =	sbr.rel @p0 .LBB2_3-.Ltmp1, $4  }
0x59: {  	v0 =	vld.idx.msk [tilespmem:v1+s4+$0x0], $0xffff  }
0x5a: {  	s5 =	sadd.s32 $0x80, s5;
	v1 =	vld.idx.msk [tilespmem:v2+s4+$0x0], $0xffff  }
0x5b: {  	v2 =	vld.idx.msk [tilespmem:v4+s4+$0x0], $0xffff;
	[tilespmem:s5+$0x30] =	vst v6  }
0x5c: {  	s7 =	sadd.s32 $0x80, s7;
	v4 =	vld.idx.msk [tilespmem:v7+s4+$0x0], $0xffff;
	[tilespmem:s5+$0xFFFFFFD0] =	vst v8  }
0x5d: {  	[tilespmem:s5+$0xFFFFFFE0] =	vst v5  }
0x5e: {  	[tilespmem:s5+$0xFFFFFFF0] =	vst v3  }
0x5f: {  	[tilespmem:s5+$0x0] =	vst v0  }
0x60: {  	[tilespmem:s5+$0x10] =	vst v1  }
0x61: {  	s2 =	sadd.s32 s2, s3;
	[tilespmem:s5+$0x20] =	vst v2  }
0x62: {  	s30 =	simm.s32 $0x0;
	s4 =	simm.s32 $0x1000;
	s31 =	simm.s32 $0x3;
	[tilespmem:s5+$0xFFFFFFC0] =	vst v4  }
0x63: {  	[hbm4b:s2+s30] =	stream.linear.scatter [tilespmem:s4], [sflag:$0x3], $0x400, $0x38;
	[tilespmem:$0x1400] =	vst v63  }
0x64: {  	_ =	swait.ge [sflag:s31], $0x400  }
0x65: {  	[sflag:s31] =	ssyncset.done $0x0  }
0x66: {  	[sflag:s31] =	ssyncadd.s32 $0xFFFFFC00  }
0x67: {  	_ =	swait.ge [sflag:s31], $0x400  }
0x68: {  	[sflag:s31] =	ssyncset.done $0x0  }
0x69: {  	[sflag:s31] =	ssyncadd.s32 $0xFFFFFC00  }
0x6a: {  	_ =	sfence.sel $0x180000  }
0x6b: {  	[bflag:$0x0] =	sbarrier.arrive $0xFFFF  }
0x6c: {  	p0 =	sne.s32 s1, $0x0;
	_ =	strace $0x90000047  }
0x6d: {  	s0 =	sadd.s32 @!p0 $0x100000, s0;
	[bflag:$0x2] =	sbarrier.arrive $0xFFFF  }
0x6e: {  	[sflag:s0] =	ssyncadd.tile.s32 @!p0 $0x1;
	_ =	shalt  }
.Lfunc_end2:
_tile_overlayer_lowered:
.L_overlay_start_2:
0x6f: {  	(tag) =	ssettag $0x2  }
0x70: {  	s0 =	rddreg [dreg:$0x0];
	s2 =	stileid.u32  }
0x71: {  	s1 =	rddreg [dreg:$0x1];
	p0 =	sne.s32 s2, $0x0  }
0x72: {  	s3 =	rddreg [dreg:$0x2];
	[bflag:$0x3] =	sbarrier.arrive $0xFFFF;
	s2 =	simm.s32 @!p0 $0x1C04  }
0x73: {  	[timem:s3], [sflag:s2] =	dma.local @!p0 [hbm:s0], s1  }
0x74: {  	s0 =	simm.s32 @!p0 $0x4  }
0x75: {  	_ =	swait.ge @!p0 [sflag:s0], s1  }
0x76: {  	s1 =	ssub.s32 @!p0 $0x0, s1;
	[sflag:s0] =	ssyncset.done @!p0 $0x0  }
0x77: {  	[sflag:s0] =	ssyncadd.s32 @!p0 s1  }
0x78: {  	[bflag:$0x3] =	sbarrier.arrive $0xFFFF  }
0x79: {  	_ =	shalt  }

</sc_bundles>
